<compile_context>
chip_gen: v7x
topology: tpu7x:2x2x1
jax: 0.10.2.dev20260603
libtpu: 0.0.44.dev20260713+nightly
codegen_flags: <defaults>
</compile_context>

<pallas_src>
import functools
import math

import jax
import jax.numpy as jnp
from jax import lax
from jax.experimental import pallas as pl
from jax.experimental.pallas import tpu as pltpu
from jax.experimental.pallas import tpu_sc as plsc

_NC = 2
_NS = 16
_NW = _NC * _NS
_L = 16

_GATHER_W = 128
_CHUNK = 512
_K = _CHUNK // _GATHER_W

_SCALE = math.sqrt(64.0)


@functools.partial(jax.jit, static_argnums=(2, 3))
def _embed_call(x_rows, table, n_rows, d):
    n_chunks = n_rows // (_NW * _CHUNK)
    rows_per_w = n_rows // _NW

    mesh = plsc.VectorSubcoreMesh(
        core_axis_name="c", subcore_axis_name="s",
        num_cores=_NC, num_subcores=_NS)

    idx_rows_per_w = rows_per_w // _GATHER_W

    @functools.partial(
        pl.kernel,
        out_type=jax.ShapeDtypeStruct((n_rows, d), jnp.float32),
        mesh=mesh,
        scratch_types=[
            pltpu.VMEM((idx_rows_per_w, _GATHER_W), jnp.int32),
            pltpu.VMEM((_CHUNK, d), jnp.float32),
            pltpu.SemaphoreType.DMA,
        ],
        compiler_params=pltpu.CompilerParams(use_tc_tiling_on_sc=False),
    )
    def _embed(idx_hbm, table_hbm, out_hbm, idx_v, rows_v, sem):
        wid = lax.axis_index("s") * _NC + lax.axis_index("c")
        row_base = wid * rows_per_w
        idx_row_base = pl.multiple_of(row_base // _GATHER_W, 8)

        pltpu.sync_copy(
            idx_hbm.at[pl.ds(idx_row_base, idx_rows_per_w)], idx_v)

        def chunk_body(g, carry):
            off = row_base + g * _CHUNK
            copies = []
            for j in range(_K):
                copies.append(pltpu.async_copy(
                    table_hbm.at[idx_v.at[g * _K + j]],
                    rows_v.at[pl.ds(j * _GATHER_W, _GATHER_W)],
                    sem))
            for c in copies:
                c.wait()

            def scale_body(r, c2):
                for cc in range(d // _L):
                    sl = pl.ds(cc * _L, _L)
                    rows_v[r, sl] = rows_v[r, sl] * _SCALE
                return c2

            lax.fori_loop(0, _CHUNK, scale_body, 0, unroll=4)

            pltpu.sync_copy(rows_v, out_hbm.at[pl.ds(off, _CHUNK)])
            return carry

        lax.fori_loop(0, n_chunks, chunk_body, 0)

    idx2d = x_rows.reshape(-1, _GATHER_W)
    return _embed(idx2d, table)


def kernel(x, table):
    n_rows = x.shape[0] * x.shape[1]
    d = table.shape[1]
    flat = x.reshape(-1).astype(jnp.int32)
    out = _embed_call(flat, table, n_rows, d)
    return out.reshape(x.shape[0], x.shape[1], d)

# --- scband reference (transcript-rebuilt; emitter-appended) ---
"""Pipeline reference for scband-token-embedding-78202764526083 (READ-ONLY COPY).

The authoritative reference and input builder live on the scoring server;
editing this copy changes nothing except your own understanding.
"""

import math
import jax, jax.numpy as jnp
import numpy as np

VOCAB_SIZE = 1000000
EMBEDDING_DIM = 64
PADDING_IDX = 0
SCALE_EMBEDDINGS = True


def setup_inputs(seed: int = 0) -> dict:
    key = jax.random.key(seed)
    k_idx, k_tab = jax.random.split(key)
    x = jax.random.randint(k_idx, (4096, 200), 0, VOCAB_SIZE, dtype=jnp.int64 if jax.config.jax_enable_x64 else jnp.int32)
    table = jax.random.normal(k_tab, (VOCAB_SIZE, EMBEDDING_DIM), dtype=jnp.float32) * (EMBEDDING_DIM ** -0.5)
    table = table.at[PADDING_IDX].set(0.0)
    return {"x": x, "table": table}


def reference(x, table):
    # embedding lookup (gather rows)
    embeddings = jnp.take(table, x, axis=0)
    if SCALE_EMBEDDINGS:
        embeddings = embeddings * math.sqrt(EMBEDDING_DIM)
    return embeddings

if __name__ == "__main__":
    import jax
    _d = setup_inputs()
    print(jax.jit(kernel)(*tuple(_d.values())))

</pallas_src>

<mosaic_0001>
#map = affine_map<(d0, d1) -> (0, 0)>
module attributes {stable_mosaic.version = 14 : i64} {
  func.func @_embed(%arg0: i32, %arg1: i32, %arg2: memref<6400x128xi32, #tpu.memory_space<hbm>>, %arg3: memref<1000000x64xf32, #tpu.memory_space<hbm>>, %arg4: memref<819200x64xf32, #tpu.memory_space<hbm>>, %arg5: memref<200x128xi32, #tpu.memory_space<vmem>>, %arg6: memref<512x64xf32, #tpu.memory_space<vmem>>, %arg7: memref<!tpu.dma_semaphore, #tpu.memory_space<semaphore_mem>>) attributes {dimension_semantics = [#tpu.dimension_semantics<core_parallel>, #tpu.dimension_semantics<subcore_parallel>], iteration_bounds = array<i64: 2, 16>, scalar_prefetch = 0 : i64, scratch_operands = 3 : i64, tpu.core_type = #tpu.core_type<sc_vector_subcore>, window_params = [{transform_indices = #map}, {transform_indices = #map}, {transform_indices = #map}]} {
    %mul3A = arith.constant 2 : i32
    %mul3A_0 = arith.muli %arg1, %mul3A : i32
    %add3A = arith.addi %mul3A_0, %arg0 : i32
    %mul3A_1 = arith.constant 25600 : i32
    %mul3A_2 = arith.muli %add3A, %mul3A_1 : i32
    %jit3A = arith.constant 128 : i32
    %div3A = arith.divsi %mul3A_2, %jit3A : i32
    %sign3A = arith.constant 0 : i32
    %sign3A_3 = arith.cmpi sgt, %mul3A_2, %sign3A : i32
    %sign3A_4 = arith.extui %sign3A_3 : i1 to i32
    %sign3A_5 = arith.constant 0 : i32
    %sign3A_6 = arith.cmpi slt, %mul3A_2, %sign3A_5 : i32
    %sign3A_7 = arith.extui %sign3A_6 : i1 to i32
    %sign3A_8 = arith.subi %sign3A_4, %sign3A_7 : i32
    %sign3A_9 = arith.constant 0 : i32
    %sign3A_10 = arith.cmpi sgt, %jit3A, %sign3A_9 : i32
    %sign3A_11 = arith.extui %sign3A_10 : i1 to i32
    %sign3A_12 = arith.constant 0 : i32
    %sign3A_13 = arith.cmpi slt, %jit3A, %sign3A_12 : i32
    %sign3A_14 = arith.extui %sign3A_13 : i1 to i32
    %sign3A_15 = arith.subi %sign3A_11, %sign3A_14 : i32
    %ne3A = arith.cmpi ne, %sign3A_8, %sign3A_15 : i32
    %rem3A = arith.remsi %mul3A_2, %jit3A : i32
    %ne3A_16 = arith.constant 0 : i32
    %ne3A_17 = arith.cmpi ne, %rem3A, %ne3A_16 : i32
    %and3A = arith.andi %ne3A, %ne3A_17 : i1
    %sub3A = arith.constant 1 : i32
    %sub3A_18 = arith.subi %div3A, %sub3A : i32
    %select_n3A = arith.select %and3A, %sub3A_18, %div3A : i32
    %multiple_of3A = tpu.assume_multiple %select_n3A, 8 : i32
    "tpu.region"() ({
      %run_scoped3A = tpu.sem_alloc : memref<!tpu.dma_semaphore, #tpu.memory_space<semaphore_mem>>
      %dma_start3A = arith.constant 0 : i32
      %dma_start3A_24 = tpu.memref_slice %arg2[%multiple_of3A, %dma_start3A] : memref<6400x128xi32, #tpu.memory_space<hbm>> -> memref<200x128xi32, #tpu.memory_space<hbm>>
      %dma_start3A_25 = arith.constant 0 : i32
      %dma_start3A_26 = tpu.memref_slice %arg2[%multiple_of3A, %dma_start3A_25] : memref<6400x128xi32, #tpu.memory_space<hbm>> -> memref<200x128xi32, #tpu.memory_space<hbm>>
      tpu.enqueue_dma source(%dma_start3A_26 : memref<200x128xi32, #tpu.memory_space<hbm>>) target(%arg5 : memref<200x128xi32, #tpu.memory_space<vmem>>) target_semaphore(%run_scoped3A : memref<!tpu.dma_semaphore, #tpu.memory_space<semaphore_mem>>)
      %dma_wait3A = arith.constant 0 : i32
      %dma_wait3A_27 = tpu.memref_slice %arg2[%multiple_of3A, %dma_wait3A] : memref<6400x128xi32, #tpu.memory_space<hbm>> -> memref<200x128xi32, #tpu.memory_space<hbm>>
      %dma_wait3A_28 = arith.constant 0 : i32
      %dma_wait3A_29 = tpu.memref_slice %arg2[%multiple_of3A, %dma_wait3A_28] : memref<6400x128xi32, #tpu.memory_space<hbm>> -> memref<200x128xi32, #tpu.memory_space<hbm>>
      tpu.wait_dma2 semaphore(%run_scoped3A : memref<!tpu.dma_semaphore, #tpu.memory_space<semaphore_mem>>) src(%dma_wait3A_29 : memref<200x128xi32, #tpu.memory_space<hbm>>) dst(%arg5 : memref<200x128xi32, #tpu.memory_space<vmem>>)
      tpu.yield
    }) : () -> ()
    %scan3A = arith.constant 0 : i32
    %scan3A_19 = arith.constant 0 : i32
    %scan3A_20 = arith.constant 50 : i32
    %scan3A_21 = arith.addi %scan3A_19, %scan3A_20 : i32
    %scan3A_22 = arith.constant 1 : i32
    scf.for %scan3A_24 = %scan3A_19 to %scan3A_21 step %scan3A_22  : i32 {
      %mul3A_25 = arith.constant 512 : i32
      %mul3A_26 = arith.muli %scan3A_24, %mul3A_25 : i32
      %add3A_27 = arith.addi %mul3A_2, %mul3A_26 : i32
      %mul3A_28 = arith.constant 4 : i32
      %mul3A_29 = arith.muli %scan3A_24, %mul3A_28 : i32
      %add3A_30 = arith.constant 0 : i32
      %add3A_31 = arith.addi %mul3A_29, %add3A_30 : i32
      %dma_start3A = arith.constant 0 : i32
      %dma_start3A_32 = arith.constant 0 : i32
      %dma_start3A_33 = tpu.memref_slice %arg6[%dma_start3A, %dma_start3A_32] : memref<512x64xf32, #tpu.memory_space<vmem>> -> memref<128x64xf32, #tpu.memory_space<vmem>>
      %dma_start3A_34 = arith.constant 0 : i32
      %dma_start3A_35 = tpu.memref_slice %arg5[%add3A_31, %dma_start3A_34] : memref<200x128xi32, #tpu.memory_space<vmem>> -> memref<1x128xi32, #tpu.memory_space<vmem>>
      %dma_start3A_36 = tpu.memref_squeeze %dma_start3A_35 : memref<1x128xi32, #tpu.memory_space<vmem>> -> memref<128xi32, #tpu.memory_space<vmem>>
      %dma_start3A_37 = arith.constant 0 : i32
      %dma_start3A_38 = arith.constant 0 : i32
      %dma_start3A_39 = tpu.memref_slice %arg3[%dma_start3A_37, %dma_start3A_38] : memref<1000000x64xf32, #tpu.memory_space<hbm>> -> memref<1000000x64xf32, #tpu.memory_space<hbm>>
      tpu.enqueue_indirect_dma source(%dma_start3A_39 : memref<1000000x64xf32, #tpu.memory_space<hbm>>) target(%dma_start3A_33 : memref<128x64xf32, #tpu.memory_space<vmem>>) offsets(%dma_start3A_36 : memref<128xi32, #tpu.memory_space<vmem>>) semaphore(%arg7 : memref<!tpu.dma_semaphore, #tpu.memory_space<semaphore_mem>>)
      %mul3A_40 = arith.constant 4 : i32
      %mul3A_41 = arith.muli %scan3A_24, %mul3A_40 : i32
      %add3A_42 = arith.constant 1 : i32
      %add3A_43 = arith.addi %mul3A_41, %add3A_42 : i32
      %dma_start3A_44 = arith.constant 128 : i32
      %dma_start3A_45 = arith.constant 0 : i32
      %dma_start3A_46 = tpu.memref_slice %arg6[%dma_start3A_44, %dma_start3A_45] : memref<512x64xf32, #tpu.memory_space<vmem>> -> memref<128x64xf32, #tpu.memory_space<vmem>>
      %dma_start3A_47 = arith.constant 0 : i32
      %dma_start3A_48 = tpu.memref_slice %arg5[%add3A_43, %dma_start3A_47] : memref<200x128xi32, #tpu.memory_space<vmem>> -> memref<1x128xi32, #tpu.memory_space<vmem>>
      %dma_start3A_49 = tpu.memref_squeeze %dma_start3A_48 : memref<1x128xi32, #tpu.memory_space<vmem>> -> memref<128xi32, #tpu.memory_space<vmem>>
      %dma_start3A_50 = arith.constant 0 : i32
      %dma_start3A_51 = arith.constant 0 : i32
      %dma_start3A_52 = tpu.memref_slice %arg3[%dma_start3A_50, %dma_start3A_51] : memref<1000000x64xf32, #tpu.memory_space<hbm>> -> memref<1000000x64xf32, #tpu.memory_space<hbm>>
      tpu.enqueue_indirect_dma source(%dma_start3A_52 : memref<1000000x64xf32, #tpu.memory_space<hbm>>) target(%dma_start3A_46 : memref<128x64xf32, #tpu.memory_space<vmem>>) offsets(%dma_start3A_49 : memref<128xi32, #tpu.memory_space<vmem>>) semaphore(%arg7 : memref<!tpu.dma_semaphore, #tpu.memory_space<semaphore_mem>>)
      %mul3A_53 = arith.constant 4 : i32
      %mul3A_54 = arith.muli %scan3A_24, %mul3A_53 : i32
      %add3A_55 = arith.constant 2 : i32
      %add3A_56 = arith.addi %mul3A_54, %add3A_55 : i32
      %dma_start3A_57 = arith.constant 256 : i32
      %dma_start3A_58 = arith.constant 0 : i32
      %dma_start3A_59 = tpu.memref_slice %arg6[%dma_start3A_57, %dma_start3A_58] : memref<512x64xf32, #tpu.memory_space<vmem>> -> memref<128x64xf32, #tpu.memory_space<vmem>>
      %dma_start3A_60 = arith.constant 0 : i32
      %dma_start3A_61 = tpu.memref_slice %arg5[%add3A_56, %dma_start3A_60] : memref<200x128xi32, #tpu.memory_space<vmem>> -> memref<1x128xi32, #tpu.memory_space<vmem>>
      %dma_start3A_62 = tpu.memref_squeeze %dma_start3A_61 : memref<1x128xi32, #tpu.memory_space<vmem>> -> memref<128xi32, #tpu.memory_space<vmem>>
      %dma_start3A_63 = arith.constant 0 : i32
      %dma_start3A_64 = arith.constant 0 : i32
      %dma_start3A_65 = tpu.memref_slice %arg3[%dma_start3A_63, %dma_start3A_64] : memref<1000000x64xf32, #tpu.memory_space<hbm>> -> memref<1000000x64xf32, #tpu.memory_space<hbm>>
      tpu.enqueue_indirect_dma source(%dma_start3A_65 : memref<1000000x64xf32, #tpu.memory_space<hbm>>) target(%dma_start3A_59 : memref<128x64xf32, #tpu.memory_space<vmem>>) offsets(%dma_start3A_62 : memref<128xi32, #tpu.memory_space<vmem>>) semaphore(%arg7 : memref<!tpu.dma_semaphore, #tpu.memory_space<semaphore_mem>>)
      %mul3A_66 = arith.constant 4 : i32
      %mul3A_67 = arith.muli %scan3A_24, %mul3A_66 : i32
      %add3A_68 = arith.constant 3 : i32
      %add3A_69 = arith.addi %mul3A_67, %add3A_68 : i32
      %dma_start3A_70 = arith.constant 384 : i32
      %dma_start3A_71 = arith.constant 0 : i32
      %dma_start3A_72 = tpu.memref_slice %arg6[%dma_start3A_70, %dma_start3A_71] : memref<512x64xf32, #tpu.memory_space<vmem>> -> memref<128x64xf32, #tpu.memory_space<vmem>>
      %dma_start3A_73 = arith.constant 0 : i32
      %dma_start3A_74 = tpu.memref_slice %arg5[%add3A_69, %dma_start3A_73] : memref<200x128xi32, #tpu.memory_space<vmem>> -> memref<1x128xi32, #tpu.memory_space<vmem>>
      %dma_start3A_75 = tpu.memref_squeeze %dma_start3A_74 : memref<1x128xi32, #tpu.memory_space<vmem>> -> memref<128xi32, #tpu.memory_space<vmem>>
      %dma_start3A_76 = arith.constant 0 : i32
      %dma_start3A_77 = arith.constant 0 : i32
      %dma_start3A_78 = tpu.memref_slice %arg3[%dma_start3A_76, %dma_start3A_77] : memref<1000000x64xf32, #tpu.memory_space<hbm>> -> memref<1000000x64xf32, #tpu.memory_space<hbm>>
      tpu.enqueue_indirect_dma source(%dma_start3A_78 : memref<1000000x64xf32, #tpu.memory_space<hbm>>) target(%dma_start3A_72 : memref<128x64xf32, #tpu.memory_space<vmem>>) offsets(%dma_start3A_75 : memref<128xi32, #tpu.memory_space<vmem>>) semaphore(%arg7 : memref<!tpu.dma_semaphore, #tpu.memory_space<semaphore_mem>>)
      %dma_wait3A = arith.constant 0 : i32
      %dma_wait3A_79 = arith.constant 0 : i32
      %dma_wait3A_80 = tpu.memref_slice %arg6[%dma_wait3A, %dma_wait3A_79] : memref<512x64xf32, #tpu.memory_space<vmem>> -> memref<128x64xf32, #tpu.memory_space<vmem>>
      %dma_wait3A_81 = arith.constant 0 : i32
      %dma_wait3A_82 = tpu.memref_slice %arg5[%add3A_31, %dma_wait3A_81] : memref<200x128xi32, #tpu.memory_space<vmem>> -> memref<1x128xi32, #tpu.memory_space<vmem>>
      %dma_wait3A_83 = tpu.memref_squeeze %dma_wait3A_82 : memref<1x128xi32, #tpu.memory_space<vmem>> -> memref<128xi32, #tpu.memory_space<vmem>>
      %dma_wait3A_84 = arith.constant 0 : i32
      %dma_wait3A_85 = arith.constant 0 : i32
      %dma_wait3A_86 = tpu.memref_slice %arg3[%dma_wait3A_84, %dma_wait3A_85] : memref<1000000x64xf32, #tpu.memory_space<hbm>> -> memref<1000000x64xf32, #tpu.memory_space<hbm>>
      tpu.wait_indirect_dma semaphore(%arg7 : memref<!tpu.dma_semaphore, #tpu.memory_space<semaphore_mem>>) src(%dma_wait3A_86 : memref<1000000x64xf32, #tpu.memory_space<hbm>>) dst(%dma_wait3A_80 : memref<128x64xf32, #tpu.memory_space<vmem>>)
      %dma_wait3A_87 = arith.constant 128 : i32
      %dma_wait3A_88 = arith.constant 0 : i32
      %dma_wait3A_89 = tpu.memref_slice %arg6[%dma_wait3A_87, %dma_wait3A_88] : memref<512x64xf32, #tpu.memory_space<vmem>> -> memref<128x64xf32, #tpu.memory_space<vmem>>
      %dma_wait3A_90 = arith.constant 0 : i32
      %dma_wait3A_91 = tpu.memref_slice %arg5[%add3A_43, %dma_wait3A_90] : memref<200x128xi32, #tpu.memory_space<vmem>> -> memref<1x128xi32, #tpu.memory_space<vmem>>
      %dma_wait3A_92 = tpu.memref_squeeze %dma_wait3A_91 : memref<1x128xi32, #tpu.memory_space<vmem>> -> memref<128xi32, #tpu.memory_space<vmem>>
      %dma_wait3A_93 = arith.constant 0 : i32
      %dma_wait3A_94 = arith.constant 0 : i32
      %dma_wait3A_95 = tpu.memref_slice %arg3[%dma_wait3A_93, %dma_wait3A_94] : memref<1000000x64xf32, #tpu.memory_space<hbm>> -> memref<1000000x64xf32, #tpu.memory_space<hbm>>
      tpu.wait_indirect_dma semaphore(%arg7 : memref<!tpu.dma_semaphore, #tpu.memory_space<semaphore_mem>>) src(%dma_wait3A_95 : memref<1000000x64xf32, #tpu.memory_space<hbm>>) dst(%dma_wait3A_89 : memref<128x64xf32, #tpu.memory_space<vmem>>)
      %dma_wait3A_96 = arith.constant 256 : i32
      %dma_wait3A_97 = arith.constant 0 : i32
      %dma_wait3A_98 = tpu.memref_slice %arg6[%dma_wait3A_96, %dma_wait3A_97] : memref<512x64xf32, #tpu.memory_space<vmem>> -> memref<128x64xf32, #tpu.memory_space<vmem>>
      %dma_wait3A_99 = arith.constant 0 : i32
      %dma_wait3A_100 = tpu.memref_slice %arg5[%add3A_56, %dma_wait3A_99] : memref<200x128xi32, #tpu.memory_space<vmem>> -> memref<1x128xi32, #tpu.memory_space<vmem>>
      %dma_wait3A_101 = tpu.memref_squeeze %dma_wait3A_100 : memref<1x128xi32, #tpu.memory_space<vmem>> -> memref<128xi32, #tpu.memory_space<vmem>>
      %dma_wait3A_102 = arith.constant 0 : i32
      %dma_wait3A_103 = arith.constant 0 : i32
      %dma_wait3A_104 = tpu.memref_slice %arg3[%dma_wait3A_102, %dma_wait3A_103] : memref<1000000x64xf32, #tpu.memory_space<hbm>> -> memref<1000000x64xf32, #tpu.memory_space<hbm>>
      tpu.wait_indirect_dma semaphore(%arg7 : memref<!tpu.dma_semaphore, #tpu.memory_space<semaphore_mem>>) src(%dma_wait3A_104 : memref<1000000x64xf32, #tpu.memory_space<hbm>>) dst(%dma_wait3A_98 : memref<128x64xf32, #tpu.memory_space<vmem>>)
      %dma_wait3A_105 = arith.constant 384 : i32
      %dma_wait3A_106 = arith.constant 0 : i32
      %dma_wait3A_107 = tpu.memref_slice %arg6[%dma_wait3A_105, %dma_wait3A_106] : memref<512x64xf32, #tpu.memory_space<vmem>> -> memref<128x64xf32, #tpu.memory_space<vmem>>
      %dma_wait3A_108 = arith.constant 0 : i32
      %dma_wait3A_109 = tpu.memref_slice %arg5[%add3A_69, %dma_wait3A_108] : memref<200x128xi32, #tpu.memory_space<vmem>> -> memref<1x128xi32, #tpu.memory_space<vmem>>
      %dma_wait3A_110 = tpu.memref_squeeze %dma_wait3A_109 : memref<1x128xi32, #tpu.memory_space<vmem>> -> memref<128xi32, #tpu.memory_space<vmem>>
      %dma_wait3A_111 = arith.constant 0 : i32
      %dma_wait3A_112 = arith.constant 0 : i32
      %dma_wait3A_113 = tpu.memref_slice %arg3[%dma_wait3A_111, %dma_wait3A_112] : memref<1000000x64xf32, #tpu.memory_space<hbm>> -> memref<1000000x64xf32, #tpu.memory_space<hbm>>
      tpu.wait_indirect_dma semaphore(%arg7 : memref<!tpu.dma_semaphore, #tpu.memory_space<semaphore_mem>>) src(%dma_wait3A_113 : memref<1000000x64xf32, #tpu.memory_space<hbm>>) dst(%dma_wait3A_107 : memref<128x64xf32, #tpu.memory_space<vmem>>)
      %scan3A_114 = arith.constant 0 : i32
      %scan3A_115 = arith.constant 0 : i32
      %scan3A_116 = arith.constant 512 : i32
      %scan3A_117 = arith.addi %scan3A_115, %scan3A_116 : i32
      %scan3A_118 = arith.constant 4 : i32
      scf.for %scan3A_120 = %scan3A_115 to %scan3A_117 step %scan3A_118  : i32 {
        %get3A = arith.index_cast %scan3A_120 : i32 to index
        %get3A_121 = arith.constant 0 : index
        %get3A_122 = tpu.vector_load %arg6[%get3A, %get3A_121] {strides = array<i32>} : memref<512x64xf32, #tpu.memory_space<vmem>>, vector<1x16xf32>,
        %get3A_123 = vector.shape_cast %get3A_122 : vector<1x16xf32> to vector<16xf32>
        %mul3A_124 = arith.constant 8.000000e+00 : f32
        %mul3A_125 = vector.broadcast %mul3A_124 : f32 to vector<16xf32>
        %mul3A_126 = arith.mulf %get3A_123, %mul3A_125 : vector<16xf32>
        %swap3A = arith.index_cast %scan3A_120 : i32 to index
        %swap3A_127 = arith.constant 0 : index
        %swap3A_128 = tpu.vector_load %arg6[%swap3A, %swap3A_127] {strides = array<i32>} : memref<512x64xf32, #tpu.memory_space<vmem>>, vector<1x16xf32>,
        %swap3A_129 = vector.shape_cast %swap3A_128 : vector<1x16xf32> to vector<16xf32>
        %swap3A_130 = vector.shape_cast %mul3A_126 : vector<16xf32> to vector<1x16xf32>
        tpu.vector_store %arg6[%swap3A, %swap3A_127], %swap3A_130 {strides = array<i32>} : memref<512x64xf32, #tpu.memory_space<vmem>>, vector<1x16xf32>,
        %get3A_131 = arith.index_cast %scan3A_120 : i32 to index
        %get3A_132 = arith.constant 16 : index
        %get3A_133 = tpu.vector_load %arg6[%get3A_131, %get3A_132] {strides = array<i32>} : memref<512x64xf32, #tpu.memory_space<vmem>>, vector<1x16xf32>,
        %get3A_134 = vector.shape_cast %get3A_133 : vector<1x16xf32> to vector<16xf32>
        %mul3A_135 = arith.constant 8.000000e+00 : f32
        %mul3A_136 = vector.broadcast %mul3A_135 : f32 to vector<16xf32>
        %mul3A_137 = arith.mulf %get3A_134, %mul3A_136 : vector<16xf32>
        %swap3A_138 = arith.index_cast %scan3A_120 : i32 to index
        %swap3A_139 = arith.constant 16 : index
        %swap3A_140 = tpu.vector_load %arg6[%swap3A_138, %swap3A_139] {strides = array<i32>} : memref<512x64xf32, #tpu.memory_space<vmem>>, vector<1x16xf32>,
        %swap3A_141 = vector.shape_cast %swap3A_140 : vector<1x16xf32> to vector<16xf32>
        %swap3A_142 = vector.shape_cast %mul3A_137 : vector<16xf32> to vector<1x16xf32>
        tpu.vector_store %arg6[%swap3A_138, %swap3A_139], %swap3A_142 {strides = array<i32>} : memref<512x64xf32, #tpu.memory_space<vmem>>, vector<1x16xf32>,
        %get3A_143 = arith.index_cast %scan3A_120 : i32 to index
        %get3A_144 = arith.constant 32 : index
        %get3A_145 = tpu.vector_load %arg6[%get3A_143, %get3A_144] {strides = array<i32>} : memref<512x64xf32, #tpu.memory_space<vmem>>, vector<1x16xf32>,
        %get3A_146 = vector.shape_cast %get3A_145 : vector<1x16xf32> to vector<16xf32>
        %mul3A_147 = arith.constant 8.000000e+00 : f32
        %mul3A_148 = vector.broadcast %mul3A_147 : f32 to vector<16xf32>
        %mul3A_149 = arith.mulf %get3A_146, %mul3A_148 : vector<16xf32>
        %swap3A_150 = arith.index_cast %scan3A_120 : i32 to index
        %swap3A_151 = arith.constant 32 : index
        %swap3A_152 = tpu.vector_load %arg6[%swap3A_150, %swap3A_151] {strides = array<i32>} : memref<512x64xf32, #tpu.memory_space<vmem>>, vector<1x16xf32>,
        %swap3A_153 = vector.shape_cast %swap3A_152 : vector<1x16xf32> to vector<16xf32>
        %swap3A_154 = vector.shape_cast %mul3A_149 : vector<16xf32> to vector<1x16xf32>
        tpu.vector_store %arg6[%swap3A_150, %swap3A_151], %swap3A_154 {strides = array<i32>} : memref<512x64xf32, #tpu.memory_space<vmem>>, vector<1x16xf32>,
        %get3A_155 = arith.index_cast %scan3A_120 : i32 to index
        %get3A_156 = arith.constant 48 : index
        %get3A_157 = tpu.vector_load %arg6[%get3A_155, %get3A_156] {strides = array<i32>} : memref<512x64xf32, #tpu.memory_space<vmem>>, vector<1x16xf32>,
        %get3A_158 = vector.shape_cast %get3A_157 : vector<1x16xf32> to vector<16xf32>
        %mul3A_159 = arith.constant 8.000000e+00 : f32
        %mul3A_160 = vector.broadcast %mul3A_159 : f32 to vector<16xf32>
        %mul3A_161 = arith.mulf %get3A_158, %mul3A_160 : vector<16xf32>
        %swap3A_162 = arith.index_cast %scan3A_120 : i32 to index
        %swap3A_163 = arith.constant 48 : index
        %swap3A_164 = tpu.vector_load %arg6[%swap3A_162, %swap3A_163] {strides = array<i32>} : memref<512x64xf32, #tpu.memory_space<vmem>>, vector<1x16xf32>,
        %swap3A_165 = vector.shape_cast %swap3A_164 : vector<1x16xf32> to vector<16xf32>
        %swap3A_166 = vector.shape_cast %mul3A_161 : vector<16xf32> to vector<1x16xf32>
        tpu.vector_store %arg6[%swap3A_162, %swap3A_163], %swap3A_166 {strides = array<i32>} : memref<512x64xf32, #tpu.memory_space<vmem>>, vector<1x16xf32>,
        %scan3A_167 = arith.constant 1 : i32
        %scan3A_168 = arith.addi %scan3A_120, %scan3A_167 : i32
        %get3A_169 = arith.index_cast %scan3A_168 : i32 to index
        %get3A_170 = arith.constant 0 : index
        %get3A_171 = tpu.vector_load %arg6[%get3A_169, %get3A_170] {strides = array<i32>} : memref<512x64xf32, #tpu.memory_space<vmem>>, vector<1x16xf32>,
        %get3A_172 = vector.shape_cast %get3A_171 : vector<1x16xf32> to vector<16xf32>
        %mul3A_173 = arith.constant 8.000000e+00 : f32
        %mul3A_174 = vector.broadcast %mul3A_173 : f32 to vector<16xf32>
        %mul3A_175 = arith.mulf %get3A_172, %mul3A_174 : vector<16xf32>
        %swap3A_176 = arith.index_cast %scan3A_168 : i32 to index
        %swap3A_177 = arith.constant 0 : index
        %swap3A_178 = tpu.vector_load %arg6[%swap3A_176, %swap3A_177] {strides = array<i32>} : memref<512x64xf32, #tpu.memory_space<vmem>>, vector<1x16xf32>,
        %swap3A_179 = vector.shape_cast %swap3A_178 : vector<1x16xf32> to vector<16xf32>
        %swap3A_180 = vector.shape_cast %mul3A_175 : vector<16xf32> to vector<1x16xf32>
        tpu.vector_store %arg6[%swap3A_176, %swap3A_177], %swap3A_180 {strides = array<i32>} : memref<512x64xf32, #tpu.memory_space<vmem>>, vector<1x16xf32>,
        %get3A_181 = arith.index_cast %scan3A_168 : i32 to index
        %get3A_182 = arith.constant 16 : index
        %get3A_183 = tpu.vector_load %arg6[%get3A_181, %get3A_182] {strides = array<i32>} : memref<512x64xf32, #tpu.memory_space<vmem>>, vector<1x16xf32>,
        %get3A_184 = vector.shape_cast %get3A_183 : vector<1x16xf32> to vector<16xf32>
        %mul3A_185 = arith.constant 8.000000e+00 : f32
        %mul3A_186 = vector.broadcast %mul3A_185 : f32 to vector<16xf32>
        %mul3A_187 = arith.mulf %get3A_184, %mul3A_186 : vector<16xf32>
        %swap3A_188 = arith.index_cast %scan3A_168 : i32 to index
        %swap3A_189 = arith.constant 16 : index
        %swap3A_190 = tpu.vector_load %arg6[%swap3A_188, %swap3A_189] {strides = array<i32>} : memref<512x64xf32, #tpu.memory_space<vmem>>, vector<1x16xf32>,
        %swap3A_191 = vector.shape_cast %swap3A_190 : vector<1x16xf32> to vector<16xf32>
        %swap3A_192 = vector.shape_cast %mul3A_187 : vector<16xf32> to vector<1x16xf32>
        tpu.vector_store %arg6[%swap3A_188, %swap3A_189], %swap3A_192 {strides = array<i32>} : memref<512x64xf32, #tpu.memory_space<vmem>>, vector<1x16xf32>,
        %get3A_193 = arith.index_cast %scan3A_168 : i32 to index
        %get3A_194 = arith.constant 32 : index
        %get3A_195 = tpu.vector_load %arg6[%get3A_193, %get3A_194] {strides = array<i32>} : memref<512x64xf32, #tpu.memory_space<vmem>>, vector<1x16xf32>,
        %get3A_196 = vector.shape_cast %get3A_195 : vector<1x16xf32> to vector<16xf32>
        %mul3A_197 = arith.constant 8.000000e+00 : f32
        %mul3A_198 = vector.broadcast %mul3A_197 : f32 to vector<16xf32>
        %mul3A_199 = arith.mulf %get3A_196, %mul3A_198 : vector<16xf32>
        %swap3A_200 = arith.index_cast %scan3A_168 : i32 to index
        %swap3A_201 = arith.constant 32 : index
        %swap3A_202 = tpu.vector_load %arg6[%swap3A_200, %swap3A_201] {strides = array<i32>} : memref<512x64xf32, #tpu.memory_space<vmem>>, vector<1x16xf32>,
        %swap3A_203 = vector.shape_cast %swap3A_202 : vector<1x16xf32> to vector<16xf32>
        %swap3A_204 = vector.shape_cast %mul3A_199 : vector<16xf32> to vector<1x16xf32>
        tpu.vector_store %arg6[%swap3A_200, %swap3A_201], %swap3A_204 {strides = array<i32>} : memref<512x64xf32, #tpu.memory_space<vmem>>, vector<1x16xf32>,
        %get3A_205 = arith.index_cast %scan3A_168 : i32 to index
        %get3A_206 = arith.constant 48 : index
        %get3A_207 = tpu.vector_load %arg6[%get3A_205, %get3A_206] {strides = array<i32>} : memref<512x64xf32, #tpu.memory_space<vmem>>, vector<1x16xf32>,
        %get3A_208 = vector.shape_cast %get3A_207 : vector<1x16xf32> to vector<16xf32>
        %mul3A_209 = arith.constant 8.000000e+00 : f32
        %mul3A_210 = vector.broadcast %mul3A_209 : f32 to vector<16xf32>
        %mul3A_211 = arith.mulf %get3A_208, %mul3A_210 : vector<16xf32>
        %swap3A_212 = arith.index_cast %scan3A_168 : i32 to index
        %swap3A_213 = arith.constant 48 : index
        %swap3A_214 = tpu.vector_load %arg6[%swap3A_212, %swap3A_213] {strides = array<i32>} : memref<512x64xf32, #tpu.memory_space<vmem>>, vector<1x16xf32>,
        %swap3A_215 = vector.shape_cast %swap3A_214 : vector<1x16xf32> to vector<16xf32>
        %swap3A_216 = vector.shape_cast %mul3A_211 : vector<16xf32> to vector<1x16xf32>
        tpu.vector_store %arg6[%swap3A_212, %swap3A_213], %swap3A_216 {strides = array<i32>} : memref<512x64xf32, #tpu.memory_space<vmem>>, vector<1x16xf32>,
        %scan3A_217 = arith.constant 2 : i32
        %scan3A_218 = arith.addi %scan3A_120, %scan3A_217 : i32
        %get3A_219 = arith.index_cast %scan3A_218 : i32 to index
        %get3A_220 = arith.constant 0 : index
        %get3A_221 = tpu.vector_load %arg6[%get3A_219, %get3A_220] {strides = array<i32>} : memref<512x64xf32, #tpu.memory_space<vmem>>, vector<1x16xf32>,
        %get3A_222 = vector.shape_cast %get3A_221 : vector<1x16xf32> to vector<16xf32>
        %mul3A_223 = arith.constant 8.000000e+00 : f32
        %mul3A_224 = vector.broadcast %mul3A_223 : f32 to vector<16xf32>
        %mul3A_225 = arith.mulf %get3A_222, %mul3A_224 : vector<16xf32>
        %swap3A_226 = arith.index_cast %scan3A_218 : i32 to index
        %swap3A_227 = arith.constant 0 : index
        %swap3A_228 = tpu.vector_load %arg6[%swap3A_226, %swap3A_227] {strides = array<i32>} : memref<512x64xf32, #tpu.memory_space<vmem>>, vector<1x16xf32>,
        %swap3A_229 = vector.shape_cast %swap3A_228 : vector<1x16xf32> to vector<16xf32>
        %swap3A_230 = vector.shape_cast %mul3A_225 : vector<16xf32> to vector<1x16xf32>
        tpu.vector_store %arg6[%swap3A_226, %swap3A_227], %swap3A_230 {strides = array<i32>} : memref<512x64xf32, #tpu.memory_space<vmem>>, vector<1x16xf32>,
        %get3A_231 = arith.index_cast %scan3A_218 : i32 to index
        %get3A_232 = arith.constant 16 : index
        %get3A_233 = tpu.vector_load %arg6[%get3A_231, %get3A_232] {strides = array<i32>} : memref<512x64xf32, #tpu.memory_space<vmem>>, vector<1x16xf32>,
        %get3A_234 = vector.shape_cast %get3A_233 : vector<1x16xf32> to vector<16xf32>
        %mul3A_235 = arith.constant 8.000000e+00 : f32
        %mul3A_236 = vector.broadcast %mul3A_235 : f32 to vector<16xf32>
        %mul3A_237 = arith.mulf %get3A_234, %mul3A_236 : vector<16xf32>
        %swap3A_238 = arith.index_cast %scan3A_218 : i32 to index
        %swap3A_239 = arith.constant 16 : index
        %swap3A_240 = tpu.vector_load %arg6[%swap3A_238, %swap3A_239] {strides = array<i32>} : memref<512x64xf32, #tpu.memory_space<vmem>>, vector<1x16xf32>,
        %swap3A_241 = vector.shape_cast %swap3A_240 : vector<1x16xf32> to vector<16xf32>
        %swap3A_242 = vector.shape_cast %mul3A_237 : vector<16xf32> to vector<1x16xf32>
        tpu.vector_store %arg6[%swap3A_238, %swap3A_239], %swap3A_242 {strides = array<i32>} : memref<512x64xf32, #tpu.memory_space<vmem>>, vector<1x16xf32>,
        %get3A_243 = arith.index_cast %scan3A_218 : i32 to index
        %get3A_244 = arith.constant 32 : index
        %get3A_245 = tpu.vector_load %arg6[%get3A_243, %get3A_244] {strides = array<i32>} : memref<512x64xf32, #tpu.memory_space<vmem>>, vector<1x16xf32>,
        %get3A_246 = vector.shape_cast %get3A_245 : vector<1x16xf32> to vector<16xf32>
        %mul3A_247 = arith.constant 8.000000e+00 : f32
        %mul3A_248 = vector.broadcast %mul3A_247 : f32 to vector<16xf32>
        %mul3A_249 = arith.mulf %get3A_246, %mul3A_248 : vector<16xf32>
        %swap3A_250 = arith.index_cast %scan3A_218 : i32 to index
        %swap3A_251 = arith.constant 32 : index
        %swap3A_252 = tpu.vector_load %arg6[%swap3A_250, %swap3A_251] {strides = array<i32>} : memref<512x64xf32, #tpu.memory_space<vmem>>, vector<1x16xf32>,
        %swap3A_253 = vector.shape_cast %swap3A_252 : vector<1x16xf32> to vector<16xf32>
        %swap3A_254 = vector.shape_cast %mul3A_249 : vector<16xf32> to vector<1x16xf32>
        tpu.vector_store %arg6[%swap3A_250, %swap3A_251], %swap3A_254 {strides = array<i32>} : memref<512x64xf32, #tpu.memory_space<vmem>>, vector<1x16xf32>,
        %get3A_255 = arith.index_cast %scan3A_218 : i32 to index
        %get3A_256 = arith.constant 48 : index
        %get3A_257 = tpu.vector_load %arg6[%get3A_255, %get3A_256] {strides = array<i32>} : memref<512x64xf32, #tpu.memory_space<vmem>>, vector<1x16xf32>,
        %get3A_258 = vector.shape_cast %get3A_257 : vector<1x16xf32> to vector<16xf32>
        %mul3A_259 = arith.constant 8.000000e+00 : f32
        %mul3A_260 = vector.broadcast %mul3A_259 : f32 to vector<16xf32>
        %mul3A_261 = arith.mulf %get3A_258, %mul3A_260 : vector<16xf32>
        %swap3A_262 = arith.index_cast %scan3A_218 : i32 to index
        %swap3A_263 = arith.constant 48 : index
        %swap3A_264 = tpu.vector_load %arg6[%swap3A_262, %swap3A_263] {strides = array<i32>} : memref<512x64xf32, #tpu.memory_space<vmem>>, vector<1x16xf32>,
        %swap3A_265 = vector.shape_cast %swap3A_264 : vector<1x16xf32> to vector<16xf32>
        %swap3A_266 = vector.shape_cast %mul3A_261 : vector<16xf32> to vector<1x16xf32>
        tpu.vector_store %arg6[%swap3A_262, %swap3A_263], %swap3A_266 {strides = array<i32>} : memref<512x64xf32, #tpu.memory_space<vmem>>, vector<1x16xf32>,
        %scan3A_267 = arith.constant 3 : i32
        %scan3A_268 = arith.addi %scan3A_120, %scan3A_267 : i32
        %get3A_269 = arith.index_cast %scan3A_268 : i32 to index
        %get3A_270 = arith.constant 0 : index
        %get3A_271 = tpu.vector_load %arg6[%get3A_269, %get3A_270] {strides = array<i32>} : memref<512x64xf32, #tpu.memory_space<vmem>>, vector<1x16xf32>,
        %get3A_272 = vector.shape_cast %get3A_271 : vector<1x16xf32> to vector<16xf32>
        %mul3A_273 = arith.constant 8.000000e+00 : f32
        %mul3A_274 = vector.broadcast %mul3A_273 : f32 to vector<16xf32>
        %mul3A_275 = arith.mulf %get3A_272, %mul3A_274 : vector<16xf32>
        %swap3A_276 = arith.index_cast %scan3A_268 : i32 to index
        %swap3A_277 = arith.constant 0 : index
        %swap3A_278 = tpu.vector_load %arg6[%swap3A_276, %swap3A_277] {strides = array<i32>} : memref<512x64xf32, #tpu.memory_space<vmem>>, vector<1x16xf32>,
        %swap3A_279 = vector.shape_cast %swap3A_278 : vector<1x16xf32> to vector<16xf32>
        %swap3A_280 = vector.shape_cast %mul3A_275 : vector<16xf32> to vector<1x16xf32>
        tpu.vector_store %arg6[%swap3A_276, %swap3A_277], %swap3A_280 {strides = array<i32>} : memref<512x64xf32, #tpu.memory_space<vmem>>, vector<1x16xf32>,
        %get3A_281 = arith.index_cast %scan3A_268 : i32 to index
        %get3A_282 = arith.constant 16 : index
        %get3A_283 = tpu.vector_load %arg6[%get3A_281, %get3A_282] {strides = array<i32>} : memref<512x64xf32, #tpu.memory_space<vmem>>, vector<1x16xf32>,
        %get3A_284 = vector.shape_cast %get3A_283 : vector<1x16xf32> to vector<16xf32>
        %mul3A_285 = arith.constant 8.000000e+00 : f32
        %mul3A_286 = vector.broadcast %mul3A_285 : f32 to vector<16xf32>
        %mul3A_287 = arith.mulf %get3A_284, %mul3A_286 : vector<16xf32>
        %swap3A_288 = arith.index_cast %scan3A_268 : i32 to index
        %swap3A_289 = arith.constant 16 : index
        %swap3A_290 = tpu.vector_load %arg6[%swap3A_288, %swap3A_289] {strides = array<i32>} : memref<512x64xf32, #tpu.memory_space<vmem>>, vector<1x16xf32>,
        %swap3A_291 = vector.shape_cast %swap3A_290 : vector<1x16xf32> to vector<16xf32>
        %swap3A_292 = vector.shape_cast %mul3A_287 : vector<16xf32> to vector<1x16xf32>
        tpu.vector_store %arg6[%swap3A_288, %swap3A_289], %swap3A_292 {strides = array<i32>} : memref<512x64xf32, #tpu.memory_space<vmem>>, vector<1x16xf32>,
        %get3A_293 = arith.index_cast %scan3A_268 : i32 to index
        %get3A_294 = arith.constant 32 : index
        %get3A_295 = tpu.vector_load %arg6[%get3A_293, %get3A_294] {strides = array<i32>} : memref<512x64xf32, #tpu.memory_space<vmem>>, vector<1x16xf32>,
        %get3A_296 = vector.shape_cast %get3A_295 : vector<1x16xf32> to vector<16xf32>
        %mul3A_297 = arith.constant 8.000000e+00 : f32
        %mul3A_298 = vector.broadcast %mul3A_297 : f32 to vector<16xf32>
        %mul3A_299 = arith.mulf %get3A_296, %mul3A_298 : vector<16xf32>
        %swap3A_300 = arith.index_cast %scan3A_268 : i32 to index
        %swap3A_301 = arith.constant 32 : index
        %swap3A_302 = tpu.vector_load %arg6[%swap3A_300, %swap3A_301] {strides = array<i32>} : memref<512x64xf32, #tpu.memory_space<vmem>>, vector<1x16xf32>,
        %swap3A_303 = vector.shape_cast %swap3A_302 : vector<1x16xf32> to vector<16xf32>
        %swap3A_304 = vector.shape_cast %mul3A_299 : vector<16xf32> to vector<1x16xf32>
        tpu.vector_store %arg6[%swap3A_300, %swap3A_301], %swap3A_304 {strides = array<i32>} : memref<512x64xf32, #tpu.memory_space<vmem>>, vector<1x16xf32>,
        %get3A_305 = arith.index_cast %scan3A_268 : i32 to index
        %get3A_306 = arith.constant 48 : index
        %get3A_307 = tpu.vector_load %arg6[%get3A_305, %get3A_306] {strides = array<i32>} : memref<512x64xf32, #tpu.memory_space<vmem>>, vector<1x16xf32>,
        %get3A_308 = vector.shape_cast %get3A_307 : vector<1x16xf32> to vector<16xf32>
        %mul3A_309 = arith.constant 8.000000e+00 : f32
        %mul3A_310 = vector.broadcast %mul3A_309 : f32 to vector<16xf32>
        %mul3A_311 = arith.mulf %get3A_308, %mul3A_310 : vector<16xf32>
        %swap3A_312 = arith.index_cast %scan3A_268 : i32 to index
        %swap3A_313 = arith.constant 48 : index
        %swap3A_314 = tpu.vector_load %arg6[%swap3A_312, %swap3A_313] {strides = array<i32>} : memref<512x64xf32, #tpu.memory_space<vmem>>, vector<1x16xf32>,
        %swap3A_315 = vector.shape_cast %swap3A_314 : vector<1x16xf32> to vector<16xf32>
        %swap3A_316 = vector.shape_cast %mul3A_311 : vector<16xf32> to vector<1x16xf32>
        tpu.vector_store %arg6[%swap3A_312, %swap3A_313], %swap3A_316 {strides = array<i32>} : memref<512x64xf32, #tpu.memory_space<vmem>>, vector<1x16xf32>,
      }
      %scan3A_119 = arith.constant 512 : i32
      "tpu.region"() ({
        %run_scoped3A = tpu.sem_alloc : memref<!tpu.dma_semaphore, #tpu.memory_space<semaphore_mem>>
        %dma_start3A_120 = arith.constant 0 : i32
        %dma_start3A_121 = tpu.memref_slice %arg4[%add3A_27, %dma_start3A_120] : memref<819200x64xf32, #tpu.memory_space<hbm>> -> memref<512x64xf32, #tpu.memory_space<hbm>>
        %dma_start3A_122 = arith.constant 0 : i32
        %dma_start3A_123 = tpu.memref_slice %arg4[%add3A_27, %dma_start3A_122] : memref<819200x64xf32, #tpu.memory_space<hbm>> -> memref<512x64xf32, #tpu.memory_space<hbm>>
        tpu.enqueue_dma source(%arg6 : memref<512x64xf32, #tpu.memory_space<vmem>>) target(%dma_start3A_123 : memref<512x64xf32, #tpu.memory_space<hbm>>) target_semaphore(%run_scoped3A : memref<!tpu.dma_semaphore, #tpu.memory_space<semaphore_mem>>)
        %dma_wait3A_124 = arith.constant 0 : i32
        %dma_wait3A_125 = tpu.memref_slice %arg4[%add3A_27, %dma_wait3A_124] : memref<819200x64xf32, #tpu.memory_space<hbm>> -> memref<512x64xf32, #tpu.memory_space<hbm>>
        %dma_wait3A_126 = arith.constant 0 : i32
        %dma_wait3A_127 = tpu.memref_slice %arg4[%add3A_27, %dma_wait3A_126] : memref<819200x64xf32, #tpu.memory_space<hbm>> -> memref<512x64xf32, #tpu.memory_space<hbm>>
        tpu.wait_dma2 semaphore(%run_scoped3A : memref<!tpu.dma_semaphore, #tpu.memory_space<semaphore_mem>>) src(%arg6 : memref<512x64xf32, #tpu.memory_space<vmem>>) dst(%dma_wait3A_127 : memref<512x64xf32, #tpu.memory_space<hbm>>)
        tpu.yield
      }) : () -> ()
    }
    %scan3A_23 = arith.constant 50 : i32
    return
  }
}

</mosaic_0001>

<sc_bundles>
// kernel: _embed_call.3.cloned.1.call-start
scs
__scs_entry_jumppad:
0x0: {  	(pc) =	sbr.rel $0x88, $3  }
0x1: {  	(tag) =	ssettag $0x0;
	lr =	simm.s32 $0x1  }
0x2: {  	[smem:$0x3F9F] =	sst lr;
	_ =	strace $0xD0000000  }
0x3: {  	_ = 	snop  }
0x4: {  	_ = 	snop  }
0x5: {  	_ = 	snop  }
0x6: {  	_ = 	snop  }
0x7: {  	_ = 	snop  }
__scs_overlays_trampoline_lowered:
0x8: {  	[smem:$0x3FAE] =	sst s0  }
0x9: {  	[smem:$0x3FAF] =	sst s1  }
0xa: {  	[smem:$0x3FB0] =	sst s2  }
0xb: {  	[smem:$0x3FB1] =	sst s3  }
0xc: {  	[smem:$0x3FB2] =	sst s4  }
0xd: {  	[smem:$0x3FB3] =	sst s5  }
0xe: {  	[smem:$0x3FB4] =	sst s6  }
0xf: {  	[smem:$0x3FB5] =	sst s7  }
0x10: {  	[smem:$0x3FB6] =	sst s8  }
0x11: {  	[smem:$0x3FB7] =	sst s9;
	s0 =	simm.s32 @!p0 $0x0  }
0x12: {  	s1 =	sld [smem:$0x3F9D];
	s0 =	simm.s32 @p0 $0x1  }
0x13: {  	[smem:$0x3FB8] =	sst s0;
	s0 =	simm.s32 @!p1 $0x0  }
0x14: {  	s2 =	sld [smem:$0x3F9C];
	s0 =	simm.s32 @p1 $0x1  }
0x15: {  	[smem:$0x3FB9] =	sst s0;
	s0 =	simm.s32 @!p2 $0x0  }
0x16: {  	s3 =	sld [smem:$0x3FDB];
	s0 =	simm.s32 @p2 $0x1  }
0x17: {  	s4 =	simm.s32 $0x1BF5;
	[smem:$0x3FBB] =	sst s0  }
0x18: {  	s0 =	sld [smem:$0x3F9E];
	_ =	swait.ge [sflag:s4], $0x0  }
0x19: {  	s7 =	sld [smem:$0x3F9F]  }
0x1a: {  	s8 =	sadd.s32 $0xFFFFE003, lr  }
0x1b: {  	s9 =	sadd.s32 $0xFFFFFEF7, lr;
	s5 =	simm.s32 $0xFFFFFFFF;
	p2 =	slt.u32 s8, $0xFFFFF086  }
0x1c: {  	p1 =	slt.u32 s9, $0xF7A;
	s5 =	simm.s32 @!p2 $0x0  }
0x1d: {  	s5 =	simm.s32 @p1 $0x1;
	p0 =	seq.s32 s7, s2  }
0x1e: {  	s7 =	smul.u32 @!p0 $0xF7A, s2;
	p2 =	seq.s32 @!p0 s5, $0x0  }
0x1f: {  	s9 =	smul.u32 $0xF7A, s1;
	s8 =	simm.s32 @!p0 $0x1BF5;
	p2 =	por !p2, p0  }
0x20: {  	[sflag:s8] =	ssyncset.s32 @!p0 $0xFFFFF086;
	s6 =	sadd.s32 @!p0 s3, s7;
	s7 =	simm.s32 @!p0 $0x108  }
0x21: {  	s3 =	sadd.s32 s3, s9;
	s6 =	sadd.s32 @!p0 $0x88, s6;
	s7 =	simm.s32 @p2 $0x1082  }
0x22: {  	[simem:s7], [sflag:s8] =	dma.local @!p0 [hbm:s6], $0xF7A  }
0x23: {  	s9 =	sor.u32 $0xD0000000, s2;
	s6 =	simm.s32 $0x108;
	_ =	swait.ge @!p0 [sflag:s8], $0x0  }
0x24: {  	s3 =	sadd.s32 $0x88, s3;
	s6 =	simm.s32 @!p1 $0x1082;
	[sflag:s4] =	ssyncset.s32 $0xFFFFF086  }
0x25: {  	[simem:s6], [sflag:s4] =	dma.local [hbm:s3], $0xF7A  }
0x26: {  	[smem:$0x3F9F] =	sst s1;
	(tag) =	ssettag s2;
	_ =	strace s9  }
0x27: {  	s1 =	sld [smem:$0x3FAF]  }
0x28: {  	s2 =	sld [smem:$0x3FB0]  }
0x29: {  	s4 =	sld [smem:$0x3FB2]  }
0x2a: {  	p0 =	seq.s32 s5, $0x0;
	s5 =	sld [smem:$0x3FB3]  }
0x2b: {  	s6 =	sld [smem:$0x3FB4]  }
0x2c: {  	s7 =	sld [smem:$0x3FB5]  }
0x2d: {  	s3 =	simm.s32 $0x108;
	s8 =	sld [smem:$0x3FB6]  }
0x2e: {  	s3 =	simm.s32 @!p0 $0x1082;
	s9 =	sld [smem:$0x3FB7]  }
0x2f: {  	lr =	sadd.s32 s0, s3;
	s0 =	sld [smem:$0x3FAE]  }
0x30: {  	s3 =	sld [smem:$0x3FB1]  }
0x31: {  	[smem:$0x3FBA] =	sst s10  }
0x32: {  	s10 =	sld [smem:$0x3FB8];
	_ =	sdelay $0x3  }
0x33: {  	p0 =	seq.s32 s10, $0x1;
	s10 =	sld [smem:$0x3FBA];
	_ =	sdelay $0x3  }
0x34: {  	[smem:$0x3FBA] =	sst s10  }
0x35: {  	s10 =	sld [smem:$0x3FB9];
	_ =	sdelay $0x3  }
0x36: {  	p1 =	seq.s32 s10, $0x1;
	s10 =	sld [smem:$0x3FBA];
	_ =	sdelay $0x3  }
0x37: {  	[smem:$0x3FBA] =	sst s10  }
0x38: {  	s10 =	sld [smem:$0x3FBB]  }
0x39: {  	_ = 	snop;
	(pc) =	sbr.ind lr, $3  }
0x3a: {  	_ = 	snop  }
0x3b: {  	_ = 	snop  }
0x3c: {  	p2 =	seq.s32 s10, $0x1;
	s10 =	sld [smem:$0x3FBA]  }
0x3d: {  	_ =	shalt  }
0x3e: {  	_ =	shalt  }
0x3f: {  	_ =	shalt  }
0x40: {  	_ =	shalt  }
0x41: {  	_ =	shalt  }
0x42: {  	_ =	shalt  }
0x43: {  	_ =	shalt  }
0x44: {  	_ =	shalt  }
0x45: {  	_ =	shalt  }
0x46: {  	_ =	shalt  }
0x47: {  	_ =	shalt  }
0x48: {  	_ =	shalt  }
0x49: {  	_ =	shalt  }
0x4a: {  	_ =	shalt  }
0x4b: {  	_ =	shalt  }
0x4c: {  	_ =	shalt  }
0x4d: {  	_ =	shalt  }
0x4e: {  	_ =	shalt  }
0x4f: {  	_ =	shalt  }
0x50: {  	_ =	shalt  }
0x51: {  	_ =	shalt  }
0x52: {  	_ =	shalt  }
0x53: {  	_ =	shalt  }
0x54: {  	_ =	shalt  }
0x55: {  	_ =	shalt  }
0x56: {  	_ =	shalt  }
0x57: {  	_ =	shalt  }
0x58: {  	_ =	shalt  }
0x59: {  	_ =	shalt  }
0x5a: {  	_ =	shalt  }
0x5b: {  	_ =	shalt  }
0x5c: {  	_ =	shalt  }
0x5d: {  	_ =	shalt  }
0x5e: {  	_ =	shalt  }
0x5f: {  	_ =	shalt  }
0x60: {  	_ =	shalt  }
0x61: {  	_ =	shalt  }
0x62: {  	_ =	shalt  }
0x63: {  	_ =	shalt  }
0x64: {  	_ =	shalt  }
0x65: {  	_ =	shalt  }
0x66: {  	_ =	shalt  }
0x67: {  	_ =	shalt  }
0x68: {  	_ =	shalt  }
0x69: {  	_ =	shalt  }
0x6a: {  	_ =	shalt  }
0x6b: {  	_ =	shalt  }
0x6c: {  	_ =	shalt  }
0x6d: {  	_ =	shalt  }
0x6e: {  	_ =	shalt  }
0x6f: {  	_ =	shalt  }
0x70: {  	_ =	shalt  }
0x71: {  	_ =	shalt  }
0x72: {  	_ =	shalt  }
0x73: {  	_ =	shalt  }
0x74: {  	_ =	shalt  }
0x75: {  	_ =	shalt  }
0x76: {  	_ =	shalt  }
0x77: {  	_ =	shalt  }
0x78: {  	_ =	shalt  }
0x79: {  	_ =	shalt  }
0x7a: {  	_ =	shalt  }
0x7b: {  	_ =	shalt  }
0x7c: {  	_ =	shalt  }
0x7d: {  	_ =	shalt  }
0x7e: {  	_ =	shalt  }
0x7f: {  	_ =	shalt  }
0x80: {  	_ =	shalt  }
0x81: {  	_ =	shalt  }
0x82: {  	_ =	shalt  }
0x83: {  	_ =	shalt  }
0x84: {  	_ =	shalt  }
0x85: {  	_ =	shalt  }
0x86: {  	_ =	shalt  }
0x87: {  	_ =	shalt  }
.Lfunc_end0:
.L_simem_size_0:
called_computation.1_lowered:
.L_overlay_start_0:
0x88: {  	s2 =	sld [smem:$0x3FD9]  }
0x89: {  	s3 =	sld [smem:$0x3FFE];
	_ =	sdelay $0x1  }
0x8a: {  	s1 =	srdreg.scid  }
0x8b: {  	s0 =	sand.u32 $0x1, s1  }
0x8c: {  	s17 =	sshll.u32 s0, $0xA;
	s2 =	sadd.s32 s3, s2  }
0x8d: {  	s2 =	sadd.s32 s2, s17  }
0x8e: {  	[smem:$0x3FC6] =	sst s2  }
0x8f: {  	_ = 	snop  }
0x90: {  	s2 =	sld [smem:$0x3FC9]  }
0x91: {  	s18 =	sld [smem:$0x3FD0];
	(tm) =	ssettm $0x1  }
0x92: {  	s4 =	sld [smem:$0x3FFB];
	_ =	sdelay $0x3  }
0x93: {  	_ =	strace s4  }
0x94: {  	s4 =	sld [smem:$0x3FFC];
	_ =	sdelay $0x3  }
0x95: {  	_ =	strace s4  }
0x96: {  	s4 =	sld [smem:$0x3FFD];
	_ =	sdelay $0x3  }
0x97: {  	_ =	strace s4  }
0x98: {  	_ =	strace $0x8FFFFFFF  }
0x99: {  	s19 =	sld [smem:$0x3FDB];
	_ =	sdelay $0x1  }
0x9a: {  	s5 =	simm.s32 $_scs_section_size  }
0x9b: {  	s6 =	simm.s32 $_size__tile_overlayer_lowered;
	s7 =	simm.s32 $_tile_overlayer_lowered  }
0x9c: {  	s22 =	simm.s32 $0x1BFF;
	s21 =	sshll.u32 s7, $0x1;
	s4 =	sadd.s32 s5, s19  }
0x9d: {  	s8 =	simm.s32 $0x0;
	s20 =	sshll.u32 s6, $0x1;
	s6 =	sadd.s32 s21, s4  }
0x9e: {  	[timem:s8], [sflag:s22] =	dma.local [hbm:s6], s20  }
0x9f: {  	_ =	swait.ge [sflag:s22], s20  }
0xa0: {  	s5 =	ssub.s32 $0x0, s20;
	[sflag:s22] =	ssyncset.done $0x0  }
0xa1: {  	[sflag:s22] =	ssyncadd.s32 s5;
	_ =	sdelay $0x1  }
0xa2: {  	s23 =	simm.s32 $0x1B8B  }
0xa3: {  	_ =	swait.ge [sflag:s23], $0x1  }
0xa4: {  	[sflag:s23] =	ssyncset.done $0x0  }
0xa5: {  	s25 =	simm.s32 $0x1B8E;
	s24 =	sld [smem:$0x3FFE];
	[sflag:s23] =	ssyncadd.s32 $0xFFFFFFFF  }
0xa6: {  	s26 =	simm.s32 $execute0_lowered;
	[smem:$0x3FD2] =	sst s25  }
0xa7: {  	s6 =	sshll.u32 s26, $0x1;
	_ =	strace $0x80000046;
	[dreg:$0x1] =	wrdreg $0xFFFFFFFF  }
0xa8: {  	s28 =	simm.s32 $_size_execute0_lowered;
	s4 =	sadd.s32 s4, s6;
	[dreg:$0x0] =	wrdreg $0x0  }
0xa9: {  	s6 =	sshll.u32 s28, $0x1;
	[dreg:$0x2] =	wrdreg s4  }
0xaa: {  	[dreg:$0x3] =	wrdreg s6  }
0xab: {  	[dreg:$0x4] =	wrdreg $0xC0  }
0xac: {  	_ =	task [dreg:s8], $0x5FFFF  }
0xad: {  	[dreg:$0x1] =	wrdreg $0xFFFFFFFF  }
0xae: {  	[dreg:$0x0] =	wrdreg $0x60  }
0xaf: {  	[dreg:$0x2] =	wrdreg s2  }
0xb0: {  	[dreg:$0x3] =	wrdreg s24  }
0xb1: {  	[dreg:$0x4] =	wrdreg s18  }
0xb2: {  	[dreg:$0x5] =	wrdreg $0x9  }
0xb3: {  	_ =	task.clear_ibuf [dreg:s8], $0x6FFFF;
	_ =	strace $0x90000046  }
0xb4: {  	s29 =	simm.s32 $0x9;
	_ =	strace $0x80000048  }
0xb5: {  	_ =	swait.ge [sflag:s29], $0x1  }
0xb6: {  	[sflag:s29] =	ssyncadd.s32 $0xFFFFFFFF  }
0xb7: {  	_ =	strace $0x90000048  }
0xb8: {  	_ =	sfence  }
0xb9: {  	s30 =	sld [smem:$0x0];
	_ =	sdelay $0x2  }
0xba: {  	s31 =	sshll.u32 s1, $0xD;
	s1 =	sshrl.u32 s1, $0x2  }
0xbb: {  	s3 =	sand.u32 $0x4000, s31;
	s1 =	sadd.s32 s1, s30  }
0xbc: {  	s0 =	sor.u32 s3, s0;
	s1 =	sshll.u32 s1, $0x11  }
0xbd: {  	s0 =	sor.u32 s1, s0  }
0xbe: {  	s0 =	sadd.s32 $0x8F2B, s0  }
0xbf: {  	[sflag:s0] =	ssyncadd.remote.s32 $0x1  }
0xc0: {  	_ =	sfence.sel $0xFFFF  }
0xc1: {  	[dreg:$0x0] =	wrdreg $0xFFFFFFFF;
	(pc) =	sbr.abs _section_cstart, $3  }
0xc2: {  	[dreg:$0x1] =	wrdreg $0xFFFFFFFF  }
0xc3: {  	_ =	task.clear_ibuf [dreg:s8], $0x2FFFF;
	_ =	strace $0x9FFFFFFF  }
0xc4: {  	(tm) =	ssettm $0x7FFFFFFF  }
0xc5: {  	_ =	shalt  }
tec
execute0_lowered:
.L_overlay_start_1:
0x0: {  	(tag) =	ssettag $0x1  }
0x1: {  	s5 =	rddreg [dreg:$0x0]  }
0x2: {  	s4 =	rddreg [dreg:$0x1]  }
0x3: {  	s1 =	srdreg.scid;
	s0 =	stileid.u32  }
0x4: {  	s2 =	rddreg [dreg:$0x2];
	s3 =	simm.s32 $0x0;
	s10 =	simm.s32 $0x6400  }
0x5: {  	s11 =	simm.s32 $0x8400;
	s12 =	simm.s32 $0xA400;
	s13 =	simm.s32 $0xC400  }
0x6: {  	s14 =	simm.s32 $0x1;
	s6 =	sand.u32 $0x1, s1;
	s7 =	sshll.u32 s0, $0x1  }
0x7: {  	s15 =	simm.s32 $0x0;
	s1 =	rddreg [dreg:$0x3];
	s7 =	sor.u32 s6, s7  }
0x8: {  	[smem:$0x7FF] =	sst s3;
	s6 =	ssub.s32 $0x2, s6;
	s8 =	smul.u32 $0xC80, s7  }
0x9: {  	s4 =	sadd.s32 $0xF42C00, s4;
	_ =	strace $0x80000047;
	s9 =	sshrl.u32 s6, $0x1  }
0xa: {  	s9 =	ssub.s32 s6, s9;
	s6 =	smul.u32 $0x190000, s7;
	s5 =	sadd.s32 s5, s8  }
0xb: {  	s7 =	smax.u32 s9, $0x1;
	s8 =	simm.s32 $0x2;
	s9 =	simm.s32 $0x80  }
.LBB2_1:
0xc: {  	[tilespmem:s3], [sflag:$0x2] =	stream.linear.gather [hbm4b:s5+s3], $0x6400, $0x38;
	[tilespmem:$0xE400] =	vst v63  }
0xd: {  	_ =	swait.ge [sflag:s8], $0x6400  }
0xe: {  	[sflag:s8] =	ssyncset.done $0x0  }
0xf: {  	s16 =	simm.s32 $0x0;
	[sflag:s8] =	ssyncadd.s32 $0xFFFF9C00  }
.LBB2_2:
0x10: {  	s17 =	sshll.u32 s16, $0x9  }
0x11: {  	s17 =	sand.u32 $0x3FFFFE00, s17  }
0x12: {  	[tilespmem:s10], [sflag:$0x1] =	stream.indirect.gather [hbm4b:s4+s9], $0x40, s17, s9, $0xb8;
	[tilespmem:$0xE400] =	vst v63  }
0x13: {  	s18 =	sor.u32 $0x80, s17  }
0x14: {  	[tilespmem:s11], [sflag:$0x1] =	stream.indirect.gather [hbm4b:s4+s9], $0x40, s18, s9, $0xb8;
	[tilespmem:$0xE400] =	vst v63  }
0x15: {  	s31 =	sor.u32 $0x100, s17  }
0x16: {  	[tilespmem:s12], [sflag:$0x1] =	stream.indirect.gather [hbm4b:s4+s9], $0x40, s31, s9, $0xb8;
	[tilespmem:$0xE400] =	vst v63  }
0x17: {  	s17 =	sor.u32 $0x180, s17  }
0x18: {  	[tilespmem:s13], [sflag:$0x1] =	stream.indirect.gather [hbm4b:s4+s9], $0x40, s17, s9, $0xb8;
	[tilespmem:$0xE400] =	vst v63  }
0x19: {  	_ =	swait.ge [sflag:s14], $0x2000  }
0x1a: {  	[sflag:s14] =	ssyncset.done $0x0  }
0x1b: {  	[sflag:s14] =	ssyncadd.s32 $0xFFFFE000  }
0x1c: {  	_ =	swait.ge [sflag:s14], $0x2000  }
0x1d: {  	[sflag:s14] =	ssyncset.done $0x0  }
0x1e: {  	[sflag:s14] =	ssyncadd.s32 $0xFFFFE000  }
0x1f: {  	_ =	swait.ge [sflag:s14], $0x2000  }
0x20: {  	[sflag:s14] =	ssyncset.done $0x0  }
0x21: {  	[sflag:s14] =	ssyncadd.s32 $0xFFFFE000  }
0x22: {  	_ =	swait.ge [sflag:s14], $0x2000  }
0x23: {  	[sflag:s14] =	ssyncset.done $0x0  }
0x24: {  	s17 =	simm.s32 $0x6480;
	[sflag:s14] =	ssyncadd.s32 $0xFFFFE000  }
0x25: {  	v0 =	vld [tilespmem:s17+$0xFFFFFF80]  }
0x26: {  	v1 =	vld [tilespmem:s17+$0xFFFFFF90]  }
0x27: {  	v2 =	vld [tilespmem:s17+$0xFFFFFFA0]  }
0x28: {  	v3 =	vld [tilespmem:s17+$0xFFFFFFB0]  }
0x29: {  	v4 =	vld [tilespmem:s17+$0xFFFFFFC0]  }
0x2a: {  	v5 =	vld [tilespmem:s17+$0xFFFFFFD0];
	v0 =	vmul.f32 $8.000000000e+00, v0  }
0x2b: {  	v6 =	vld [tilespmem:s17+$0xFFFFFFE0];
	v1 =	vmul.f32 $8.000000000e+00, v1  }
0x2c: {  	[tilespmem:s17+$0xFFFFFF80] =	vst v0;
	v0 =	vmul.f32 $8.000000000e+00, v2;
	v2 =	vld [tilespmem:s17+$0x0]  }
0x2d: {  	[tilespmem:s17+$0xFFFFFF90] =	vst v1;
	v1 =	vmul.f32 $8.000000000e+00, v3;
	v3 =	vld [tilespmem:s17+$0x10]  }
0x2e: {  	[tilespmem:s17+$0xFFFFFFA0] =	vst v0;
	v0 =	vmul.f32 $8.000000000e+00, v4;
	v4 =	vld [tilespmem:s17+$0x20]  }
0x2f: {  	v7 =	vld [tilespmem:s17+$0x30];
	[tilespmem:s17+$0xFFFFFFB0] =	vst v1;
	v1 =	vmul.f32 $8.000000000e+00, v5  }
0x30: {  	v5 =	vmul.f32 $8.000000000e+00, v6;
	[tilespmem:s17+$0xFFFFFFC0] =	vst v0;
	v0 =	vld [tilespmem:s17+$0x40]  }
0x31: {  	[tilespmem:s17+$0xFFFFFFD0] =	vst v1;
	v1 =	vmul.f32 $8.000000000e+00, v2;
	v2 =	vld [tilespmem:s17+$0x50]  }
0x32: {  	[tilespmem:s17+$0xFFFFFFE0] =	vst v5;
	v6 =	vmul.f32 $8.000000000e+00, v3;
	v3 =	vld [tilespmem:s17+$0x60]  }
0x33: {  	[tilespmem:s17+$0x0] =	vst v1;
	v5 =	vmul.f32 $8.000000000e+00, v4;
	v4 =	vld [tilespmem:s17+$0x70]  }
0x34: {  	s19 =	simm.s32 $0x6580;
	s18 =	simm.s32 $0x0;
	v1 =	vld [tilespmem:s17+$0xFFFFFFF0];
	[tilespmem:s17+$0x10] =	vst v6;
	v6 =	vmul.f32 $8.000000000e+00, v7  }
.LBB2_3:
0x35: {  	v7 =	vld [tilespmem:s19+$0xFFFFFF80];
	[tilespmem:s17+$0x20] =	vst v5;
	v0 =	vmul.f32 $8.000000000e+00, v0  }
0x36: {  	v5 =	vld [tilespmem:s19+$0xFFFFFF90];
	[tilespmem:s17+$0x30] =	vst v6;
	v2 =	vmul.f32 $8.000000000e+00, v2  }
0x37: {  	v6 =	vld [tilespmem:s19+$0xFFFFFFA0];
	[tilespmem:s17+$0x40] =	vst v0;
	v0 =	vmul.f32 $8.000000000e+00, v3  }
0x38: {  	v3 =	vld [tilespmem:s19+$0xFFFFFFB0];
	[tilespmem:s17+$0x50] =	vst v2;
	v2 =	vmul.f32 $8.000000000e+00, v4  }
0x39: {  	v4 =	vld [tilespmem:s19+$0xFFFFFFC0];
	v1 =	vmul.f32 $8.000000000e+00, v1;
	[tilespmem:s17+$0x60] =	vst v0  }
0x3a: {  	v0 =	vmul.f32 $8.000000000e+00, v7;
	v7 =	vld [tilespmem:s19+$0xFFFFFFD0];
	[tilespmem:s17+$0x70] =	vst v2  }
0x3b: {  	v2 =	vmul.f32 $8.000000000e+00, v5;
	v5 =	vld [tilespmem:s19+$0xFFFFFFE0];
	[tilespmem:s17+$0xFFFFFFF0] =	vst v1;
	s17 =	smov.u32 s19  }
0x3c: {  	[tilespmem:s19+$0xFFFFFF80] =	vst v0;
	v0 =	vmul.f32 $8.000000000e+00, v6;
	v1 =	vld [tilespmem:s19+$0x0]  }
0x3d: {  	[tilespmem:s19+$0xFFFFFF90] =	vst v2;
	v2 =	vmul.f32 $8.000000000e+00, v3;
	v3 =	vld [tilespmem:s19+$0x10]  }
0x3e: {  	s18 =	sadd.s32 $0x4, s18;
	[tilespmem:s19+$0xFFFFFFA0] =	vst v0;
	v0 =	vmul.f32 $8.000000000e+00, v4;
	v4 =	vld [tilespmem:s19+$0x20]  }
0x3f: {  	p0 =	slt.u32 s18, $0x1FC;
	[tilespmem:s19+$0xFFFFFFB0] =	vst v2;
	v2 =	vmul.f32 $8.000000000e+00, v7;
	v6 =	vld [tilespmem:s19+$0x30]  }
.Ltmp0:
0x40: {  	[tilespmem:s19+$0xFFFFFFC0] =	vst v0;
	v5 =	vmul.f32 $8.000000000e+00, v5;
	v0 =	vld [tilespmem:s19+$0x40];
	(pc) =	sbr.rel @p0 .LBB2_3-.Ltmp0, $4  }
0x41: {  	[tilespmem:s19+$0xFFFFFFD0] =	vst v2;
	v1 =	vmul.f32 $8.000000000e+00, v1;
	v2 =	vld [tilespmem:s19+$0x50]  }
0x42: {  	[tilespmem:s19+$0xFFFFFFE0] =	vst v5;
	v7 =	vmul.f32 $8.000000000e+00, v3;
	v3 =	vld [tilespmem:s19+$0x60]  }
0x43: {  	[tilespmem:s19+$0x0] =	vst v1;
	v5 =	vmul.f32 $8.000000000e+00, v4;
	v4 =	vld [tilespmem:s19+$0x70]  }
0x44: {  	s19 =	sadd.s32 $0x100, s19;
	v1 =	vld [tilespmem:s17+$0xFFFFFFF0];
	[tilespmem:s17+$0x10] =	vst v7;
	v6 =	vmul.f32 $8.000000000e+00, v6  }
0x45: {  	[tilespmem:s17+$0x20] =	vst v5;
	v0 =	vmul.f32 $8.000000000e+00, v0  }
0x46: {  	[tilespmem:s17+$0x30] =	vst v6;
	v2 =	vmul.f32 $8.000000000e+00, v2  }
0x47: {  	[tilespmem:s17+$0x40] =	vst v0;
	v62 =	vmul.f32 $8.000000000e+00, v3  }
0x48: {  	s18 =	sshll.u32 s16, $0xF;
	[tilespmem:s17+$0x50] =	vst v2;
	v63 =	vmul.f32 $8.000000000e+00, v4  }
0x49: {  	s16 =	sadd.s32 $0x1, s16;
	s18 =	sadd.s32 s6, s18;
	v1 =	vmul.f32 $8.000000000e+00, v1;
	[tilespmem:s17+$0x60] =	vst v62  }
0x4a: {  	p0 =	sne.s32 s16, $0x32;
	s18 =	sshrl.u32 s18, $0x3;
	[tilespmem:s17+$0x70] =	vst v63  }
.Ltmp1:
0x4b: {  	s31 =	sadd.s32 s2, s18;
	[tilespmem:s17+$0xFFFFFFF0] =	vst v1;
	(pc) =	sbr.rel @p0 .LBB2_2-.Ltmp1, $4  }
0x4c: {  	[hbm4b:s31+s3] =	stream.linear.scatter [tilespmem:s10], [sflag:$0x2], $0x8000, $0x38;
	[tilespmem:$0xE400] =	vst v63  }
0x4d: {  	_ =	swait.ge [sflag:s8], $0x8000  }
0x4e: {  	[sflag:s8] =	ssyncset.done $0x0  }
0x4f: {  	[sflag:s8] =	ssyncadd.s32 $0xFFFF8000  }
0x50: {  	s15 =	sadd.s32 $0x1, s15  }
0x51: {  	p0 =	sne.s32 s15, s7  }
.Ltmp2:
0x52: {  	_ = 	snop;
	(pc) =	sbr.rel @p0 .LBB2_1-.Ltmp2, $1  }
0x53: {  	_ =	sdelay $0x3  }
0x54: {  	_ =	sfence.sel $0x180000  }
0x55: {  	[bflag:$0x0] =	sbarrier.arrive $0xFFFF  }
0x56: {  	p0 =	sne.s32 s0, $0x0;
	_ =	strace $0x90000047  }
0x57: {  	s0 =	sadd.s32 @!p0 $0x100000, s1;
	[bflag:$0x2] =	sbarrier.arrive $0xFFFF  }
0x58: {  	[sflag:s0] =	ssyncadd.tile.s32 @!p0 $0x1;
	_ =	shalt  }
.Lfunc_end2:
_tile_overlayer_lowered:
.L_overlay_start_2:
0x59: {  	(tag) =	ssettag $0x2  }
0x5a: {  	s0 =	rddreg [dreg:$0x0];
	s2 =	stileid.u32  }
0x5b: {  	s1 =	rddreg [dreg:$0x1];
	p0 =	sne.s32 s2, $0x0  }
0x5c: {  	s3 =	rddreg [dreg:$0x2];
	[bflag:$0x3] =	sbarrier.arrive $0xFFFF;
	s2 =	simm.s32 @!p0 $0x1C02  }
0x5d: {  	[timem:s3], [sflag:s2] =	dma.local @!p0 [hbm:s0], s1  }
0x5e: {  	s0 =	simm.s32 @!p0 $0x2  }
0x5f: {  	_ =	swait.ge @!p0 [sflag:s0], s1  }
0x60: {  	s1 =	ssub.s32 @!p0 $0x0, s1;
	[sflag:s0] =	ssyncset.done @!p0 $0x0  }
0x61: {  	[sflag:s0] =	ssyncadd.s32 @!p0 s1  }
0x62: {  	[bflag:$0x3] =	sbarrier.arrive $0xFFFF  }
0x63: {  	_ =	shalt  }

// kernel: sparse-core-data-format-call.cloned.1.call-start
scs
called_computation_lowered:
.L_overlay_start_0:
0x0: {  	s2 =	sld [smem:$0x3FD9]  }
0x1: {  	s3 =	sld [smem:$0x3FFE];
	_ =	sdelay $0x1  }
0x2: {  	s1 =	srdreg.scid  }
0x3: {  	s0 =	sand.u32 $0x1, s1  }
0x4: {  	s18 =	sshll.u32 s0, $0xA;
	s2 =	sadd.s32 s3, s2  }
0x5: {  	s2 =	sadd.s32 s2, s18  }
0x6: {  	[smem:$0x3FC6] =	sst s2  }
0x7: {  	_ = 	snop  }
0x8: {  	s2 =	sld [smem:$0x3FD0];
	(tm) =	ssettm $0x1  }
0x9: {  	s19 =	sld [smem:$0x3FFB];
	_ =	sdelay $0x3  }
0xa: {  	_ =	strace s19  }
0xb: {  	s3 =	sld [smem:$0x3FFC];
	_ =	sdelay $0x3  }
0xc: {  	_ =	strace s3  }
0xd: {  	s3 =	sld [smem:$0x3FFD];
	_ =	sdelay $0x3  }
0xe: {  	_ =	strace s3  }
0xf: {  	_ =	strace $0x8FFFFFFF  }
0x10: {  	s20 =	sld [smem:$0x3FDB];
	_ =	sdelay $0x1  }
0x11: {  	s4 =	simm.s32 $_scs_section_size  }
0x12: {  	s5 =	simm.s32 $_size__tile_overlayer_lowered;
	s6 =	simm.s32 $_tile_overlayer_lowered  }
0x13: {  	s23 =	simm.s32 $0x1BFF;
	s22 =	sshll.u32 s6, $0x1;
	s3 =	sadd.s32 s4, s20  }
0x14: {  	s7 =	simm.s32 $0x0;
	s21 =	sshll.u32 s5, $0x1;
	s5 =	sadd.s32 s22, s3  }
0x15: {  	[timem:s7], [sflag:s23] =	dma.local [hbm:s5], s21  }
0x16: {  	_ =	swait.ge [sflag:s23], s21  }
0x17: {  	s4 =	ssub.s32 $0x0, s21;
	[sflag:s23] =	ssyncset.done $0x0  }
0x18: {  	[sflag:s23] =	ssyncadd.s32 s4;
	_ =	sdelay $0x1  }
0x19: {  	s24 =	simm.s32 $0x1B8B  }
0x1a: {  	_ =	swait.ge [sflag:s24], $0x1  }
0x1b: {  	[sflag:s24] =	ssyncset.done $0x0  }
0x1c: {  	s26 =	simm.s32 $0x1B8E;
	s25 =	sld [smem:$0x3FFE];
	[sflag:s24] =	ssyncadd.s32 $0xFFFFFFFF  }
0x1d: {  	s27 =	simm.s32 $execute0_lowered;
	[smem:$0x3FD2] =	sst s26  }
0x1e: {  	s5 =	sshll.u32 s27, $0x1;
	_ =	strace $0x80000049;
	[dreg:$0x1] =	wrdreg $0xFFFFFFFF  }
0x1f: {  	s28 =	simm.s32 $_size_execute0_lowered;
	s3 =	sadd.s32 s3, s5;
	[dreg:$0x0] =	wrdreg $0x0  }
0x20: {  	s5 =	sshll.u32 s28, $0x1;
	[dreg:$0x2] =	wrdreg s3  }
0x21: {  	[dreg:$0x3] =	wrdreg s5  }
0x22: {  	[dreg:$0x4] =	wrdreg $0xC0  }
0x23: {  	_ =	task [dreg:s7], $0x5FFFF  }
0x24: {  	[dreg:$0x1] =	wrdreg $0xFFFFFFFF  }
0x25: {  	[dreg:$0x0] =	wrdreg $0x60  }
0x26: {  	[dreg:$0x2] =	wrdreg s25  }
0x27: {  	[dreg:$0x3] =	wrdreg s2  }
0x28: {  	[dreg:$0x4] =	wrdreg $0x9  }
0x29: {  	_ =	task.clear_ibuf [dreg:s7], $0x5FFFF;
	_ =	strace $0x90000049  }
0x2a: {  	s29 =	simm.s32 $0x9;
	_ =	strace $0x8000004B  }
0x2b: {  	_ =	swait.ge [sflag:s29], $0x1  }
0x2c: {  	[sflag:s29] =	ssyncadd.s32 $0xFFFFFFFF  }
0x2d: {  	_ =	strace $0x9000004B  }
0x2e: {  	_ =	sfence  }
0x2f: {  	s30 =	sld [smem:$0x0];
	_ =	sdelay $0x2  }
0x30: {  	s31 =	sshll.u32 s1, $0xD;
	s1 =	sshrl.u32 s1, $0x2  }
0x31: {  	s3 =	sand.u32 $0x4000, s31;
	s1 =	sadd.s32 s1, s30  }
0x32: {  	s0 =	sor.u32 s3, s0;
	s1 =	sshll.u32 s1, $0x11  }
0x33: {  	s0 =	sor.u32 s1, s0  }
0x34: {  	s0 =	sadd.s32 $0x8F2B, s0  }
0x35: {  	[sflag:s0] =	ssyncadd.remote.s32 $0x1  }
0x36: {  	_ =	sfence.sel $0xFFFF  }
0x37: {  	[dreg:$0x0] =	wrdreg $0xFFFFFFFF;
	(pc) =	sbr.abs _section_cstart, $3  }
0x38: {  	[dreg:$0x1] =	wrdreg $0xFFFFFFFF  }
0x39: {  	_ =	task.clear_ibuf [dreg:s7], $0x2FFFF;
	_ =	strace $0x9FFFFFFF  }
0x3a: {  	(tm) =	ssettm $0x7FFFFFFF  }
0x3b: {  	_ =	shalt  }
tec
execute0_lowered:
.L_overlay_start_1:
0x0: {  	(tag) =	ssettag $0x1  }
0x1: {  	s0 =	srdreg.scid  }
0x2: {  	s1 =	sshll.u32 s0, $0x4  }
0x3: {  	s4 =	rddreg [dreg:$0x0];
	s0 =	stileid.u32;
	s1 =	sand.u32 $0x10, s1  }
0x4: {  	s2 =	rddreg [dreg:$0x1];
	s7 =	simm.s32 $0x1;
	s1 =	sor.u32 s0, s1  }
0x5: {  	s8 =	simm.s32 $0x2;
	s11 =	simm.s32 $0x0;
	s3 =	sshll.u32 s1, $0x7  }
0x6: {  	s10 =	simm.s32 $0x0;
	s4 =	sadd.s32 $0x800, s4;
	s6 =	ssub.s32 $0xC8000, s3  }
.Ltmp0:
0x7: {  	s1 =	rddreg [dreg:$0x2];
	s5 =	sand.u32 $0xF80, s6;
	(pc) =	sbr.rel .LBB1_1-.Ltmp0, $4  }
0x8: {  	_ =	strace $0x8000004A;
	s9 =	smov.u32 s3;
	p0 =	sne.s32 s5, $0x0  }
0x9: {  	s6 =	sshrl.u32 s6, $0xC;
	s5 =	simm.s32 $0x1;
	s7 =	simm.s32 @!p0 $0x0  }
0xa: {  	[sflag:s5] =	ssyncpa.u1 $0x0;
	p0 =	por $0x0, $0x0;
	s6 =	sadd.s32 s7, s6  }
0xb: {  	[sflag:s8] =	ssyncpa.u1 $0x0;
	s8 =	simm.s32 $0x640000;
	s7 =	sadd.s32 $0x1, s6  }
.LBB1_4:
0xc: {  	s14 =	sshll.u32 s11, $0x3  }
0xd: {  	s30 =	sand.u32 $0x7F, s11;
	s15 =	sand.u32 $0xFFFFFC00, s14  }
0xe: {  	s11 =	sor.u32 s30, s15  }
0xf: {  	s15 =	smulhi.u32 $0x51EB851F, s11  }
0x10: {  	s14 =	smulhi.u32 $0x51EB851F, s14  }
0x11: {  	s15 =	sshrl.u32 s15, $0x12  }
0x12: {  	s14 =	sshrl.u32 s14, $0x12;
	s15 =	smul.u32 $0xC8000, s15  }
0x13: {  	s14 =	sand.u32 $0x3F, s14  }
0x14: {  	s14 =	smul.u32 $0x19000, s14;
	s11 =	ssub.s32 s11, s15  }
0x15: {  	[tilespmem:s13+$0x810 ss:$0x81] =	vst.msk $0xffff, v2;
	s15 =	sand.u32 $0x7, s11  }
0x16: {  	[tilespmem:s13+$0x1020 ss:$0x81] =	vst.msk $0xffff, v0;
	s14 =	sadd.s32 s2, s14;
	s11 =	sshrl.u32 s11, $0x3;
	s15 =	sshll.u32 s15, $0x12  }
0x17: {  	[tilespmem:s13+$0x0 ss:$0x81] =	vst.msk $0xffff, v1;
	s11 =	sadd.s32 s11, s14;
	s31 =	sor.u32 $0x400, s15  }
0x18: {  	[hbm4b:s11+s31] =	stream.strided.scatter [tilespmem:s12], [sflag:$0x2], $0x2000, s8, s31, $0x20;
	[tilespmem:$0x8080] =	vst v63  }
.LBB1_5:
0x19: {  	s13 =	sadd.s32 $0x1000, s9  }
0x1a: {  	p2 =	sgt.s32 s13, $0xC7FFF  }
0x1b: {  	s13 =	smov.u32 @p2 s3;
	p2 =	sne.s32 s10, s7  }
.Ltmp1:
0x1c: {  	p1 =	slt.u32 s10, $0x2;
	(pc) =	sbr.rel @!p2 .LBB1_6-.Ltmp1, $4  }
0x1d: {  	s12 =	simm.s32 @!p1 $0x2  }
0x1e: {  	s14 =	sadd.s32 $0x1, s10;
	_ =	swait.ge @!p1 [sflag:s12], $0x2000  }
0x1f: {  	s11 =	smov.u32 s9;
	p0 =	por !p0, !p0;
	[sflag:s12] =	ssyncset.done @!p1 $0x0  }
0x20: {  	s10 =	smov.u32 s14;
	s9 =	smov.u32 s13;
	[sflag:s12] =	ssyncadd.s32 @!p1 $0xFFFFE000  }
.LBB1_1:
0x21: {  	p1 =	sge.u32 s10, s6  }
0x22: {  	s12 =	sand.u32 @!p1 $0x1FFFFFF, s9  }
0x23: {  	s13 =	smulhi.u32 @!p1 $0x147AE15, s12;
	_ =	sdelay $0x1  }
0x24: {  	s13 =	sshrl.u32 @!p1 s13, $0xC  }
0x25: {  	s13 =	smul.u32 @!p1 $0xC8000, s13;
	_ =	sdelay $0x1  }
0x26: {  	s31 =	sadd.s32 $0xFFFFFFFF, s10;
	s14 =	sxor.u32 @!p1 $0xFFFFFFFF, s10;
	s12 =	ssub.s32 @!p1 s12, s13  }
0x27: {  	s15 =	simm.s32 @!p1 $0x80;
	s14 =	sshll.u32 @!p1 s14, $0xD;
	s12 =	sshll.u32 @!p1 s12, $0x4  }
0x28: {  	s13 =	sand.u32 @!p1 $0x2000, s14;
	s14 =	simm.s32 @!p1 $0x40;
	s12 =	sadd.s32 @!p1 s4, s12  }
0x29: {  	[tilespmem:s13], [sflag:$0x1] =	stream.strided.gather @!p1 [hbm4b:s12+s14], $0x2000, s15, s14, $0x38;
	[tilespmem:$0x8080] =	vst v63  }
0x2a: {  	p1 =	sge.u32 s31, s6  }
.Ltmp2:
0x2b: {  	_ = 	snop;
	(pc) =	sbr.rel @p1 .LBB1_5-.Ltmp2, $1  }
0x2c: {  	_ =	sdelay $0x3  }
0x2d: {  	s12 =	simm.s32 $0x1  }
0x2e: {  	_ =	swait.ge [sflag:s5], $0x2000;
	s12 =	simm.s32 @!p0 $0x0  }
0x2f: {  	[sflag:s5] =	ssyncset.done $0x0;
	s13 =	sshll.u32 s12, $0xD  }
0x30: {  	[sflag:s5] =	ssyncadd.s32 $0xFFFFE000;
	s16 =	sor.u32 $0x20, s13  }
0x31: {  	s12 =	smul.u32 $0x8100, s12;
	v3 =	vld [tilespmem:s16+$0x10]  }
0x32: {  	s30 =	sand.u32 $0x1, s10;
	v2 =	vld [tilespmem:s16+$0xFFFFFFF0]  }
0x33: {  	s13 =	smul.u32 $0x8100, s30;
	s12 =	sshrl.u32 s12, $0x2;
	v0 =	vld [tilespmem:s16+$0x0]  }
0x34: {  	v1 =	vld [tilespmem:s16+$0xFFFFFFE0];
	s14 =	sor.u32 $0x4000, s12  }
0x35: {  	s31 =	sshrl.u32 s13, $0x2;
	s13 =	sadd.s32 $0x0, s14  }
0x36: {  	s15 =	simm.s32 $0x4;
	s16 =	sadd.s32 $0x40, s16;
	s12 =	sor.u32 $0x4000, s31;
	[tilespmem:s13+$0x1830 ss:$0x81] =	vst.msk $0xffff, v3  }
.LBB1_3:
0x37: {  	v3 =	vld [tilespmem:s16+$0x10];
	p1 =	sne.s32 s15, $0x1FC;
	[tilespmem:s13+$0x810 ss:$0x81] =	vst.msk $0xffff, v2;
	s17 =	smov.u32 s15;
	s15 =	sadd.s32 $0x4, s15  }
.Ltmp3:
0x38: {  	v2 =	vld [tilespmem:s16+$0xFFFFFFF0];
	[tilespmem:s13+$0x1020 ss:$0x81] =	vst.msk $0xffff, v0;
	(pc) =	sbr.rel @p1 .LBB1_3-.Ltmp3, $4  }
0x39: {  	v0 =	vld [tilespmem:s16+$0x0];
	[tilespmem:s13+$0x0 ss:$0x81] =	vst.msk $0xffff, v1  }
0x3a: {  	s13 =	sshra.s32 s17, $0x2;
	v1 =	vld [tilespmem:s16+$0xFFFFFFE0]  }
0x3b: {  	s13 =	sadd.s32 s13, s14  }
0x3c: {  	s16 =	sadd.s32 $0x40, s16;
	[tilespmem:s13+$0x1830 ss:$0x81] =	vst.msk $0xffff, v3  }
.Ltmp4:
0x3d: {  	_ = 	snop;
	(pc) =	sbr.rel .LBB1_4-.Ltmp4, $1  }
0x3e: {  	_ =	sdelay $0x3  }
.LBB1_6:
0x3f: {  	_ =	sfence.sel $0x180000  }
0x40: {  	s2 =	simm.s32 $0x1;
	[bflag:$0x0] =	sbarrier.arrive $0xFFFF  }
0x41: {  	s31 =	simm.s32 $0x2;
	[sflag:s2] =	ssyncpa.u1 $0x1  }
0x42: {  	[sflag:s31] =	ssyncpa.u1 $0x1  }
0x43: {  	p0 =	sne.s32 s0, $0x0;
	_ =	strace $0x9000004A  }
0x44: {  	s0 =	sadd.s32 @!p0 $0x100000, s1;
	[bflag:$0x2] =	sbarrier.arrive $0xFFFF  }
0x45: {  	[sflag:s0] =	ssyncadd.tile.s32 @!p0 $0x1;
	_ =	shalt  }
.Lfunc_end1:
_tile_overlayer_lowered:
.L_overlay_start_2:
0x46: {  	(tag) =	ssettag $0x2  }
0x47: {  	s0 =	rddreg [dreg:$0x0];
	s2 =	stileid.u32  }
0x48: {  	s1 =	rddreg [dreg:$0x1];
	p0 =	sne.s32 s2, $0x0  }
0x49: {  	s3 =	rddreg [dreg:$0x2];
	[bflag:$0x3] =	sbarrier.arrive $0xFFFF;
	s2 =	simm.s32 @!p0 $0x1C01  }
0x4a: {  	[timem:s3], [sflag:s2] =	dma.local @!p0 [hbm:s0], s1  }
0x4b: {  	s0 =	simm.s32 @!p0 $0x1  }
0x4c: {  	_ =	swait.ge @!p0 [sflag:s0], s1  }
0x4d: {  	s1 =	ssub.s32 @!p0 $0x0, s1;
	[sflag:s0] =	ssyncset.done @!p0 $0x0  }
0x4e: {  	[sflag:s0] =	ssyncadd.s32 @!p0 s1  }
0x4f: {  	[bflag:$0x3] =	sbarrier.arrive $0xFFFF  }
0x50: {  	_ =	shalt  }

</sc_bundles>
